<compile_context>
chip_gen: v7x
topology: tpu7x:2x2x1
jax: 0.10.2.dev20260603
libtpu: 0.0.44.dev20260713+nightly
codegen_flags: <defaults>
</compile_context>

<pallas_src>
import functools

import jax
import jax.numpy as jnp
from jax import lax
from jax.experimental import pallas as pl
from jax.experimental.pallas import tpu as pltpu
import jax.experimental.pallas.tpu_sc as plsc

_N = 4096
_K = 8192
_D = 32
_ROWS = 512
_COLS = 1024
_NCH = _K // _COLS
_KLD_SCALE = 10.0


def _argmin_body(beta_ref, x_ref, cb_ref, near_ref, loss_ref, perp_ref,
                 counts_ref, cn_ref, acc_ref):
    i = pl.program_id(0)
    xb = x_ref[0]
    xn = jnp.sum(xb * xb, axis=0, keepdims=True)

    @pl.when(i == 0)
    def _():
        counts_ref[...] = jnp.zeros_like(counts_ref)
        acc_ref[0] = 0.0
        for c in range(_NCH):
            cb = cb_ref[pl.ds(c * _COLS, _COLS), :]
            cn_ref[:, pl.ds(c, 1)] = jnp.sum(cb * cb, axis=1, keepdims=True)

    best_d = jnp.full((1, _ROWS), jnp.inf, dtype=jnp.float32)
    best_i = jnp.zeros((1, _ROWS), dtype=jnp.int32)
    for c in range(_NCH):
        cb = cb_ref[pl.ds(c * _COLS, _COLS), :]
        cn = cn_ref[:, pl.ds(c, 1)]
        m = lax.dot_general(cb, xb, (((1,), (0,)), ((), ())),
                            preferred_element_type=jnp.float32)
        d = (xn + cn) - 2.0 * m
        dmin = jnp.min(d, axis=0, keepdims=True)
        iota = lax.broadcasted_iota(jnp.int32, (_COLS, _ROWS), 0)
        idx = jnp.min(jnp.where(d == dmin, iota, _K), axis=0, keepdims=True)
        take = dmin < best_d
        best_d = jnp.where(take, dmin, best_d)
        best_i = jnp.where(take, idx + c * _COLS, best_i)

    near_ref[...] = best_i.reshape(1, _ROWS, 1)

    low = best_i & (_COLS - 1)
    high = best_i >> 10
    iota0 = lax.broadcasted_iota(jnp.int32, (_COLS, _ROWS), 0)
    oh_low = (low == iota0).astype(jnp.float32)
    iotac = lax.broadcasted_iota(jnp.int32, (_NCH, _ROWS), 0)
    oh_high = (high == iotac).astype(jnp.float32)
    counts_ref[...] += lax.dot_general(
        oh_low, oh_high, (((1,), (1,)), ((), ())),
        preferred_element_type=jnp.float32)

    acc_ref[0] += jnp.sum(best_d)

    @pl.when(i == pl.num_programs(0) - 1)
    def _():
        mse = acc_ref[0] / jnp.float32(_N * _D)
        beta = beta_ref[0]
        loss_ref[0, 0] = (beta * mse + mse) * jnp.float32(_KLD_SCALE)
        e_mean = counts_ref[...] / jnp.float32(_N)
        ent = e_mean * jnp.log(e_mean + 1e-10)
        perp_ref[0, 0] = jnp.exp(-jnp.sum(ent))


def _nearest_and_stats(x3d, codebook, beta):
    grid = _N // _ROWS
    hw_ch = 1024 // _ROWS if _ROWS <= 1024 else 1
    near, loss, perp = pl.pallas_call(
        _argmin_body,
        grid=(grid,),
        in_specs=[
            pl.BlockSpec(memory_space=pltpu.SMEM),
            pl.BlockSpec((1, _D, _ROWS),
                         lambda i: (i // hw_ch, 0, i % hw_ch)),
            pl.BlockSpec((_K, _D), lambda i: (0, 0)),
        ],
        out_specs=[
            pl.BlockSpec((1, _ROWS, 1), lambda i: (i, 0, 0)),
            pl.BlockSpec(memory_space=pltpu.SMEM),
            pl.BlockSpec(memory_space=pltpu.SMEM),
        ],
        out_shape=[
            jax.ShapeDtypeStruct((grid, _ROWS, 1), jnp.int32),
            jax.ShapeDtypeStruct((1, 1), jnp.float32),
            jax.ShapeDtypeStruct((1, 1), jnp.float32),
        ],
        scratch_shapes=[
            pltpu.VMEM((_COLS, _NCH), jnp.float32),
            pltpu.VMEM((_COLS, _NCH), jnp.float32),
            pltpu.SMEM((1,), jnp.float32),
        ],
    )(beta, x3d, codebook)
    return near.reshape(_N), loss[0, 0], perp[0, 0]


def _make_sc_gather():
    info = plsc.get_sparse_core_info()
    nw = info.num_cores * info.num_subcores
    rpw = _N // nw
    mesh = plsc.VectorSubcoreMesh(core_axis_name="c", subcore_axis_name="s")

    @functools.partial(
        pl.kernel,
        mesh=mesh,
        out_type=jax.ShapeDtypeStruct((_N, _D), jnp.float32),
        scratch_types=[
            pltpu.VMEM((rpw,), jnp.int32),
            pltpu.VMEM((rpw, _D), jnp.float32),
            pltpu.SemaphoreType.DMA,
        ],
        compiler_params=pltpu.CompilerParams(use_tc_tiling_on_sc=False),
    )
    def gather(cb_hbm, idx_hbm, out_hbm, idx_v, rows_v, sem):
        wid = lax.axis_index("s") * info.num_cores + lax.axis_index("c")
        base = wid * rpw
        pltpu.sync_copy(idx_hbm.at[pl.ds(base, rpw)], idx_v)
        pltpu.async_copy(cb_hbm.at[idx_v], rows_v, sem).wait()
        pltpu.sync_copy(rows_v, out_hbm.at[pl.ds(base, rpw)])

    return gather


def kernel(inputs, beta, codebook):
    x3d = inputs.reshape(4, _D, 1024)
    beta1 = beta.reshape(1)

    near, loss, perp = _nearest_and_stats(x3d, codebook, beta1)
    quant2d = _make_sc_gather()(codebook, near)
    q_out = jnp.transpose(quant2d.reshape(4, 1024, _D), (0, 2, 1)).reshape(
        inputs.shape)
    return (loss, q_out, perp)

# --- scband reference (transcript-rebuilt; emitter-appended) ---
"""Pipeline reference for scband-quantizer-57939108823771 (READ-ONLY COPY).

The authoritative reference and input builder live on the scoring server;
editing this copy changes nothing except your own understanding.
"""

import jax, jax.numpy as jnp
import numpy as np

NUM_EMBEDDINGS = 8192
EMBEDDINGS_DIM = 32
KLD_SCALE = 10.0


def setup_inputs(seed: int = 0) -> dict:
    key = jax.random.key(seed)
    k1, k2 = jax.random.split(key)
    inputs = jax.random.normal(k1, (4, 32, 32, 32), dtype=jnp.float32)
    beta = jnp.asarray(1.0, dtype=jnp.float32)
    codebook = jax.random.uniform(
        k2, (NUM_EMBEDDINGS, EMBEDDINGS_DIM),
        minval=-1.0 / NUM_EMBEDDINGS, maxval=1.0 / NUM_EMBEDDINGS,
        dtype=jnp.float32)
    return {"inputs": inputs, "beta": beta, "codebook": codebook}


def reference(inputs, beta, codebook):
    # inputs: [B, C, H, W] -> channels last
    x = jnp.transpose(inputs, (0, 2, 3, 1))
    flatten = x.reshape(-1, codebook.shape[1])
    # squared L2 distance to every code
    d = (jnp.sum(flatten ** 2, axis=1, keepdims=True)
         + jnp.sum(codebook ** 2, axis=1)
         - 2.0 * jnp.matmul(flatten, codebook.T))
    nearest = jnp.argmin(d, axis=1)
    one_hot = jax.nn.one_hot(nearest, codebook.shape[0], dtype=x.dtype)
    quantized = jnp.matmul(one_hot, codebook).reshape(x.shape)
    # training-mode loss (ema=False branch)
    loss = beta * jnp.mean((quantized - jax.lax.stop_gradient(x)) ** 2)
    loss = (loss + jnp.mean((jax.lax.stop_gradient(quantized) - x) ** 2)) * KLD_SCALE
    # straight-through estimator
    quantized_st = x + jax.lax.stop_gradient(quantized) - jax.lax.stop_gradient(x)
    e_mean = jnp.mean(one_hot, axis=0)
    perplexity = jnp.exp(-jnp.sum(e_mean * jnp.log(e_mean + 1e-10)))
    q_out = jnp.transpose(quantized_st, (0, 3, 1, 2))
    return (loss, q_out, perplexity)

if __name__ == "__main__":
    import jax
    _d = setup_inputs()
    print(jax.jit(kernel)(*tuple(_d.values())))

</pallas_src>

<mosaic_0001>
#map = affine_map<(d0, d1) -> (0, 0)>
#map1 = affine_map<(d0, d1) -> (0)>
module attributes {stable_mosaic.version = 14 : i64} {
  func.func @gather(%arg0: i32, %arg1: i32, %arg2: memref<8192x32xf32, #tpu.memory_space<hbm>>, %arg3: memref<4096xi32, #tpu.memory_space<hbm>>, %arg4: memref<4096x32xf32, #tpu.memory_space<hbm>>, %arg5: memref<128xi32, #tpu.memory_space<vmem>>, %arg6: memref<128x32xf32, #tpu.memory_space<vmem>>, %arg7: memref<!tpu.dma_semaphore, #tpu.memory_space<semaphore_mem>>) attributes {dimension_semantics = [#tpu.dimension_semantics<core_parallel>, #tpu.dimension_semantics<subcore_parallel>], iteration_bounds = array<i64: 2, 16>, scalar_prefetch = 0 : i64, scratch_operands = 3 : i64, tpu.core_type = #tpu.core_type<sc_vector_subcore>, window_params = [{transform_indices = #map}, {transform_indices = #map1}, {transform_indices = #map}]} {
    %mul3A = arith.constant 2 : i32
    %mul3A_0 = arith.muli %arg1, %mul3A : i32
    %add3A = arith.addi %mul3A_0, %arg0 : i32
    %mul3A_1 = arith.constant 128 : i32
    %mul3A_2 = arith.muli %add3A, %mul3A_1 : i32
    "tpu.region"() ({
      %run_scoped3A = tpu.sem_alloc : memref<!tpu.dma_semaphore, #tpu.memory_space<semaphore_mem>>
      %dma_start3A_7 = tpu.memref_slice %arg3[%mul3A_2] : memref<4096xi32, #tpu.memory_space<hbm>> -> memref<128xi32, #tpu.memory_space<hbm>>
      %dma_start3A_8 = tpu.memref_slice %arg3[%mul3A_2] : memref<4096xi32, #tpu.memory_space<hbm>> -> memref<128xi32, #tpu.memory_space<hbm>>
      tpu.enqueue_dma source(%dma_start3A_8 : memref<128xi32, #tpu.memory_space<hbm>>) target(%arg5 : memref<128xi32, #tpu.memory_space<vmem>>) target_semaphore(%run_scoped3A : memref<!tpu.dma_semaphore, #tpu.memory_space<semaphore_mem>>)
      %dma_wait3A_9 = tpu.memref_slice %arg3[%mul3A_2] : memref<4096xi32, #tpu.memory_space<hbm>> -> memref<128xi32, #tpu.memory_space<hbm>>
      %dma_wait3A_10 = tpu.memref_slice %arg3[%mul3A_2] : memref<4096xi32, #tpu.memory_space<hbm>> -> memref<128xi32, #tpu.memory_space<hbm>>
      tpu.wait_dma2 semaphore(%run_scoped3A : memref<!tpu.dma_semaphore, #tpu.memory_space<semaphore_mem>>) src(%dma_wait3A_10 : memref<128xi32, #tpu.memory_space<hbm>>) dst(%arg5 : memref<128xi32, #tpu.memory_space<vmem>>)
      tpu.yield
    }) : () -> ()
    %dma_start3A = arith.constant 0 : i32
    %dma_start3A_3 = arith.constant 0 : i32
    %dma_start3A_4 = tpu.memref_slice %arg2[%dma_start3A, %dma_start3A_3] : memref<8192x32xf32, #tpu.memory_space<hbm>> -> memref<8192x32xf32, #tpu.memory_space<hbm>>
    tpu.enqueue_indirect_dma source(%dma_start3A_4 : memref<8192x32xf32, #tpu.memory_space<hbm>>) target(%arg6 : memref<128x32xf32, #tpu.memory_space<vmem>>) offsets(%arg5 : memref<128xi32, #tpu.memory_space<vmem>>) semaphore(%arg7 : memref<!tpu.dma_semaphore, #tpu.memory_space<semaphore_mem>>)
    %dma_wait3A = arith.constant 0 : i32
    %dma_wait3A_5 = arith.constant 0 : i32
    %dma_wait3A_6 = tpu.memref_slice %arg2[%dma_wait3A, %dma_wait3A_5] : memref<8192x32xf32, #tpu.memory_space<hbm>> -> memref<8192x32xf32, #tpu.memory_space<hbm>>
    tpu.wait_indirect_dma semaphore(%arg7 : memref<!tpu.dma_semaphore, #tpu.memory_space<semaphore_mem>>) src(%dma_wait3A_6 : memref<8192x32xf32, #tpu.memory_space<hbm>>) dst(%arg6 : memref<128x32xf32, #tpu.memory_space<vmem>>)
    "tpu.region"() ({
      %run_scoped3A = tpu.sem_alloc : memref<!tpu.dma_semaphore, #tpu.memory_space<semaphore_mem>>
      %dma_start3A_7 = arith.constant 0 : i32
      %dma_start3A_8 = tpu.memref_slice %arg4[%mul3A_2, %dma_start3A_7] : memref<4096x32xf32, #tpu.memory_space<hbm>> -> memref<128x32xf32, #tpu.memory_space<hbm>>
      %dma_start3A_9 = arith.constant 0 : i32
      %dma_start3A_10 = tpu.memref_slice %arg4[%mul3A_2, %dma_start3A_9] : memref<4096x32xf32, #tpu.memory_space<hbm>> -> memref<128x32xf32, #tpu.memory_space<hbm>>
      tpu.enqueue_dma source(%arg6 : memref<128x32xf32, #tpu.memory_space<vmem>>) target(%dma_start3A_10 : memref<128x32xf32, #tpu.memory_space<hbm>>) target_semaphore(%run_scoped3A : memref<!tpu.dma_semaphore, #tpu.memory_space<semaphore_mem>>)
      %dma_wait3A_11 = arith.constant 0 : i32
      %dma_wait3A_12 = tpu.memref_slice %arg4[%mul3A_2, %dma_wait3A_11] : memref<4096x32xf32, #tpu.memory_space<hbm>> -> memref<128x32xf32, #tpu.memory_space<hbm>>
      %dma_wait3A_13 = arith.constant 0 : i32
      %dma_wait3A_14 = tpu.memref_slice %arg4[%mul3A_2, %dma_wait3A_13] : memref<4096x32xf32, #tpu.memory_space<hbm>> -> memref<128x32xf32, #tpu.memory_space<hbm>>
      tpu.wait_dma2 semaphore(%run_scoped3A : memref<!tpu.dma_semaphore, #tpu.memory_space<semaphore_mem>>) src(%arg6 : memref<128x32xf32, #tpu.memory_space<vmem>>) dst(%dma_wait3A_14 : memref<128x32xf32, #tpu.memory_space<hbm>>)
      tpu.yield
    }) : () -> ()
    return
  }
}

module attributes {stable_mosaic.version = 14 : i64} {
  func.func @_argmin_body(%arg0: i32, %arg1: memref<1xf32, #tpu.memory_space<smem>>, %arg2: memref<1x32x512xf32, #tpu.memory_space<vmem>>, %arg3: memref<8192x32xf32, #tpu.memory_space<vmem>>, %arg4: memref<1x512x1xi32, #tpu.memory_space<vmem>>, %arg5: memref<1x1xf32, #tpu.memory_space<smem>>, %arg6: memref<1x1xf32, #tpu.memory_space<smem>>, %arg7: memref<1024x8xf32, #tpu.memory_space<vmem>>, %arg8: memref<1024x8xf32, #tpu.memory_space<vmem>>, %arg9: memref<1xf32, #tpu.memory_space<smem>>) attributes {dimension_semantics = [#tpu.dimension_semantics<arbitrary>], iteration_bounds = array<i64: 8>, scalar_prefetch = 0 : i64, scratch_operands = 3 : i64, tpu.core_type = #tpu.core_type<tc>, window_params = [{transform_indices = @transform_0, window_bounds = array<i64: 1>}, {transform_indices = @transform_1, window_bounds = array<i64: 1, 32, 512>}, {pipeline_mode = #tpu.pipeline_mode<synchronous>, transform_indices = @transform_2, window_bounds = array<i64: 8192, 32>}, {transform_indices = @transform_3, window_bounds = array<i64: 1, 512, 1>}, {transform_indices = @transform_4, window_bounds = array<i64: 1, 1>}, {transform_indices = @transform_5, window_bounds = array<i64: 1, 1>}]} {
    %get3A = arith.constant 0 : index
    %get3A_0 = arith.constant 0 : index
    %get3A_1 = arith.constant 0 : index
    %get3A_2 = vector.load %arg2[%get3A, %get3A_0, %get3A_1] : memref<1x32x512xf32, #tpu.memory_space<vmem>>, vector<1x32x512xf32>
    %get3A_3 = vector.shape_cast %get3A_2 : vector<1x32x512xf32> to vector<32x512xf32>
    %mul3A = arith.mulf %get3A_3, %get3A_3 : vector<32x512xf32>
    %reduce_sum3A = arith.constant dense<0.000000e+00> : vector<512xf32>
    %reduce_sum3A_4 = vector.multi_reduction <add>, %mul3A, %reduce_sum3A [0] : vector<32x512xf32> to vector<512xf32>
    %broadcast_in_dim3A = vector.shape_cast %reduce_sum3A_4 : vector<512xf32> to vector<1x512xf32>
    %eq3A = arith.constant 0 : i32
    %eq3A_5 = arith.cmpi eq, %arg0, %eq3A : i32
    %convert_element_type3A = arith.extui %eq3A_5 : i1 to i32
    %cond3A = arith.constant 0 : i32
    %cond3A_6 = arith.cmpi ne, %convert_element_type3A, %cond3A : i32
    scf.if %cond3A_6 {
      %broadcast_in_dim3A_308 = arith.constant 0.000000e+00 : f32
      %broadcast_in_dim3A_309 = vector.broadcast %broadcast_in_dim3A_308 : f32 to vector<1024x8xf32>
      %swap3A_310 = arith.constant 0 : index
      %swap3A_311 = arith.constant 0 : index
      %swap3A_312 = vector.load %arg7[%swap3A_310, %swap3A_311] : memref<1024x8xf32, #tpu.memory_space<vmem>>, vector<1024x8xf32>
      tpu.vector_store %arg7[%swap3A_310, %swap3A_311], %broadcast_in_dim3A_309 {strides = array<i32>} : memref<1024x8xf32, #tpu.memory_space<vmem>>, vector<1024x8xf32>,
      %swap3A_313 = arith.constant 0.000000e+00 : f32
      %swap3A_314 = arith.constant 0 : index
      %swap3A_315 = memref.load %arg9[%swap3A_314] : memref<1xf32, #tpu.memory_space<smem>>
      memref.store %swap3A_313, %arg9[%swap3A_314] : memref<1xf32, #tpu.memory_space<smem>>
      %get3A_316 = arith.constant 0 : index
      %get3A_317 = arith.constant 0 : index
      %get3A_318 = vector.load %arg3[%get3A_316, %get3A_317] : memref<8192x32xf32, #tpu.memory_space<vmem>>, vector<1024x32xf32>
      %mul3A_319 = arith.mulf %get3A_318, %get3A_318 : vector<1024x32xf32>
      %reduce_sum3A_320 = arith.constant dense<0.000000e+00> : vector<1024xf32>
      %reduce_sum3A_321 = vector.multi_reduction <add>, %mul3A_319, %reduce_sum3A_320 [1] : vector<1024x32xf32> to vector<1024xf32>
      %broadcast_in_dim3A_322 = vector.shape_cast %reduce_sum3A_321 : vector<1024xf32> to vector<1024x1xf32>
      %swap3A_323 = arith.constant 0 : index
      %swap3A_324 = arith.constant 0 : index
      %swap3A_325 = vector.load %arg8[%swap3A_323, %swap3A_324] : memref<1024x8xf32, #tpu.memory_space<vmem>>, vector<1024x1xf32>
      tpu.vector_store %arg8[%swap3A_323, %swap3A_324], %broadcast_in_dim3A_322 {strides = array<i32>} : memref<1024x8xf32, #tpu.memory_space<vmem>>, vector<1024x1xf32>,
      %get3A_326 = arith.constant 1024 : index
      %get3A_327 = arith.constant 0 : index
      %get3A_328 = vector.load %arg3[%get3A_326, %get3A_327] : memref<8192x32xf32, #tpu.memory_space<vmem>>, vector<1024x32xf32>
      %mul3A_329 = arith.mulf %get3A_328, %get3A_328 : vector<1024x32xf32>
      %reduce_sum3A_330 = arith.constant dense<0.000000e+00> : vector<1024xf32>
      %reduce_sum3A_331 = vector.multi_reduction <add>, %mul3A_329, %reduce_sum3A_330 [1] : vector<1024x32xf32> to vector<1024xf32>
      %broadcast_in_dim3A_332 = vector.shape_cast %reduce_sum3A_331 : vector<1024xf32> to vector<1024x1xf32>
      %swap3A_333 = arith.constant 0 : index
      %swap3A_334 = arith.constant 1 : index
      %swap3A_335 = vector.load %arg8[%swap3A_333, %swap3A_334] : memref<1024x8xf32, #tpu.memory_space<vmem>>, vector<1024x1xf32>
      tpu.vector_store %arg8[%swap3A_333, %swap3A_334], %broadcast_in_dim3A_332 {strides = array<i32>} : memref<1024x8xf32, #tpu.memory_space<vmem>>, vector<1024x1xf32>,
      %get3A_336 = arith.constant 2048 : index
      %get3A_337 = arith.constant 0 : index
      %get3A_338 = vector.load %arg3[%get3A_336, %get3A_337] : memref<8192x32xf32, #tpu.memory_space<vmem>>, vector<1024x32xf32>
      %mul3A_339 = arith.mulf %get3A_338, %get3A_338 : vector<1024x32xf32>
      %reduce_sum3A_340 = arith.constant dense<0.000000e+00> : vector<1024xf32>
      %reduce_sum3A_341 = vector.multi_reduction <add>, %mul3A_339, %reduce_sum3A_340 [1] : vector<1024x32xf32> to vector<1024xf32>
      %broadcast_in_dim3A_342 = vector.shape_cast %reduce_sum3A_341 : vector<1024xf32> to vector<1024x1xf32>
      %swap3A_343 = arith.constant 0 : index
      %swap3A_344 = arith.constant 2 : index
      %swap3A_345 = vector.load %arg8[%swap3A_343, %swap3A_344] : memref<1024x8xf32, #tpu.memory_space<vmem>>, vector<1024x1xf32>
      tpu.vector_store %arg8[%swap3A_343, %swap3A_344], %broadcast_in_dim3A_342 {strides = array<i32>} : memref<1024x8xf32, #tpu.memory_space<vmem>>, vector<1024x1xf32>,
      %get3A_346 = arith.constant 3072 : index
      %get3A_347 = arith.constant 0 : index
      %get3A_348 = vector.load %arg3[%get3A_346, %get3A_347] : memref<8192x32xf32, #tpu.memory_space<vmem>>, vector<1024x32xf32>
      %mul3A_349 = arith.mulf %get3A_348, %get3A_348 : vector<1024x32xf32>
      %reduce_sum3A_350 = arith.constant dense<0.000000e+00> : vector<1024xf32>
      %reduce_sum3A_351 = vector.multi_reduction <add>, %mul3A_349, %reduce_sum3A_350 [1] : vector<1024x32xf32> to vector<1024xf32>
      %broadcast_in_dim3A_352 = vector.shape_cast %reduce_sum3A_351 : vector<1024xf32> to vector<1024x1xf32>
      %swap3A_353 = arith.constant 0 : index
      %swap3A_354 = arith.constant 3 : index
      %swap3A_355 = vector.load %arg8[%swap3A_353, %swap3A_354] : memref<1024x8xf32, #tpu.memory_space<vmem>>, vector<1024x1xf32>
      tpu.vector_store %arg8[%swap3A_353, %swap3A_354], %broadcast_in_dim3A_352 {strides = array<i32>} : memref<1024x8xf32, #tpu.memory_space<vmem>>, vector<1024x1xf32>,
      %get3A_356 = arith.constant 4096 : index
      %get3A_357 = arith.constant 0 : index
      %get3A_358 = vector.load %arg3[%get3A_356, %get3A_357] : memref<8192x32xf32, #tpu.memory_space<vmem>>, vector<1024x32xf32>
      %mul3A_359 = arith.mulf %get3A_358, %get3A_358 : vector<1024x32xf32>
      %reduce_sum3A_360 = arith.constant dense<0.000000e+00> : vector<1024xf32>
      %reduce_sum3A_361 = vector.multi_reduction <add>, %mul3A_359, %reduce_sum3A_360 [1] : vector<1024x32xf32> to vector<1024xf32>
      %broadcast_in_dim3A_362 = vector.shape_cast %reduce_sum3A_361 : vector<1024xf32> to vector<1024x1xf32>
      %swap3A_363 = arith.constant 0 : index
      %swap3A_364 = arith.constant 4 : index
      %swap3A_365 = vector.load %arg8[%swap3A_363, %swap3A_364] : memref<1024x8xf32, #tpu.memory_space<vmem>>, vector<1024x1xf32>
      tpu.vector_store %arg8[%swap3A_363, %swap3A_364], %broadcast_in_dim3A_362 {strides = array<i32>} : memref<1024x8xf32, #tpu.memory_space<vmem>>, vector<1024x1xf32>,
      %get3A_366 = arith.constant 5120 : index
      %get3A_367 = arith.constant 0 : index
      %get3A_368 = vector.load %arg3[%get3A_366, %get3A_367] : memref<8192x32xf32, #tpu.memory_space<vmem>>, vector<1024x32xf32>
      %mul3A_369 = arith.mulf %get3A_368, %get3A_368 : vector<1024x32xf32>
      %reduce_sum3A_370 = arith.constant dense<0.000000e+00> : vector<1024xf32>
      %reduce_sum3A_371 = vector.multi_reduction <add>, %mul3A_369, %reduce_sum3A_370 [1] : vector<1024x32xf32> to vector<1024xf32>
      %broadcast_in_dim3A_372 = vector.shape_cast %reduce_sum3A_371 : vector<1024xf32> to vector<1024x1xf32>
      %swap3A_373 = arith.constant 0 : index
      %swap3A_374 = arith.constant 5 : index
      %swap3A_375 = vector.load %arg8[%swap3A_373, %swap3A_374] : memref<1024x8xf32, #tpu.memory_space<vmem>>, vector<1024x1xf32>
      tpu.vector_store %arg8[%swap3A_373, %swap3A_374], %broadcast_in_dim3A_372 {strides = array<i32>} : memref<1024x8xf32, #tpu.memory_space<vmem>>, vector<1024x1xf32>,
      %get3A_376 = arith.constant 6144 : index
      %get3A_377 = arith.constant 0 : index
      %get3A_378 = vector.load %arg3[%get3A_376, %get3A_377] : memref<8192x32xf32, #tpu.memory_space<vmem>>, vector<1024x32xf32>
      %mul3A_379 = arith.mulf %get3A_378, %get3A_378 : vector<1024x32xf32>
      %reduce_sum3A_380 = arith.constant dense<0.000000e+00> : vector<1024xf32>
      %reduce_sum3A_381 = vector.multi_reduction <add>, %mul3A_379, %reduce_sum3A_380 [1] : vector<1024x32xf32> to vector<1024xf32>
      %broadcast_in_dim3A_382 = vector.shape_cast %reduce_sum3A_381 : vector<1024xf32> to vector<1024x1xf32>
      %swap3A_383 = arith.constant 0 : index
      %swap3A_384 = arith.constant 6 : index
      %swap3A_385 = vector.load %arg8[%swap3A_383, %swap3A_384] : memref<1024x8xf32, #tpu.memory_space<vmem>>, vector<1024x1xf32>
      tpu.vector_store %arg8[%swap3A_383, %swap3A_384], %broadcast_in_dim3A_382 {strides = array<i32>} : memref<1024x8xf32, #tpu.memory_space<vmem>>, vector<1024x1xf32>,
      %get3A_386 = arith.constant 7168 : index
      %get3A_387 = arith.constant 0 : index
      %get3A_388 = vector.load %arg3[%get3A_386, %get3A_387] : memref<8192x32xf32, #tpu.memory_space<vmem>>, vector<1024x32xf32>
      %mul3A_389 = arith.mulf %get3A_388, %get3A_388 : vector<1024x32xf32>
      %reduce_sum3A_390 = arith.constant dense<0.000000e+00> : vector<1024xf32>
      %reduce_sum3A_391 = vector.multi_reduction <add>, %mul3A_389, %reduce_sum3A_390 [1] : vector<1024x32xf32> to vector<1024xf32>
      %broadcast_in_dim3A_392 = vector.shape_cast %reduce_sum3A_391 : vector<1024xf32> to vector<1024x1xf32>
      %swap3A_393 = arith.constant 0 : index
      %swap3A_394 = arith.constant 7 : index
      %swap3A_395 = vector.load %arg8[%swap3A_393, %swap3A_394] : memref<1024x8xf32, #tpu.memory_space<vmem>>, vector<1024x1xf32>
      tpu.vector_store %arg8[%swap3A_393, %swap3A_394], %broadcast_in_dim3A_392 {strides = array<i32>} : memref<1024x8xf32, #tpu.memory_space<vmem>>, vector<1024x1xf32>,
    } else {
    }
    %broadcast_in_dim3A_7 = arith.constant 0x7F800000 : f32
    %broadcast_in_dim3A_8 = vector.broadcast %broadcast_in_dim3A_7 : f32 to vector<1x512xf32>
    %broadcast_in_dim3A_9 = arith.constant 0 : i32
    %broadcast_in_dim3A_10 = vector.broadcast %broadcast_in_dim3A_9 : i32 to vector<1x512xi32>
    %get3A_11 = arith.constant 0 : index
    %get3A_12 = arith.constant 0 : index
    %get3A_13 = vector.load %arg3[%get3A_11, %get3A_12] : memref<8192x32xf32, #tpu.memory_space<vmem>>, vector<1024x32xf32>
    %get3A_14 = arith.constant 0 : index
    %get3A_15 = arith.constant 0 : index
    %get3A_16 = vector.load %arg8[%get3A_14, %get3A_15] : memref<1024x8xf32, #tpu.memory_space<vmem>>, vector<1024x1xf32>
    %dot_general3A = arith.constant dense<0.000000e+00> : vector<1024x512xf32>
    %dot_general3A_17 = tpu.matmul %get3A_13, %get3A_3, %dot_general3A {dimension_numbers = #tpu.dot_dimension_numbers<[1], [0], [0], [1], [0, 0, 1, 1], [], []>, transpose_lhs_hint = false} : vector<1024x32xf32>, vector<32x512xf32>, vector<1024x512xf32> -> vector<1024x512xf32>
    %add3A = vector.broadcast %broadcast_in_dim3A : vector<1x512xf32> to vector<1024x512xf32>
    %add3A_18 = vector.broadcast %get3A_16 : vector<1024x1xf32> to vector<1024x512xf32>
    %add3A_19 = arith.addf %add3A, %add3A_18 : vector<1024x512xf32>
    %mul3A_20 = arith.constant 2.000000e+00 : f32
    %mul3A_21 = vector.broadcast %mul3A_20 : f32 to vector<1024x512xf32>
    %mul3A_22 = arith.mulf %mul3A_21, %dot_general3A_17 : vector<1024x512xf32>
    %sub3A = arith.subf %add3A_19, %mul3A_22 : vector<1024x512xf32>
    %reduce_min3A = arith.constant dense<0x7F800000> : vector<512xf32>
    %reduce_min3A_23 = vector.multi_reduction <minimumf>, %sub3A, %reduce_min3A [0] : vector<1024x512xf32> to vector<512xf32>
    %broadcast_in_dim3A_24 = vector.shape_cast %reduce_min3A_23 : vector<512xf32> to vector<1x512xf32>
    %iota3A = tpu.iota {dimensions = array<i32: 0>} : vector<1024x512xi32>
    %eq3A_25 = vector.broadcast %broadcast_in_dim3A_24 : vector<1x512xf32> to vector<1024x512xf32>
    %eq3A_26 = arith.cmpf oeq, %sub3A, %eq3A_25 : vector<1024x512xf32>
    %jit3A = arith.constant 8192 : i32
    %broadcast_in_dim3A_27 = vector.broadcast %jit3A : i32 to vector<1024x512xi32>
    %select_n3A = arith.select %eq3A_26, %iota3A, %broadcast_in_dim3A_27 : vector<1024x512xi1>, vector<1024x512xi32>
    %reduce_min3A_28 = arith.constant dense<2147483647> : vector<512xi32>
    %reduce_min3A_29 = vector.multi_reduction <minsi>, %select_n3A, %reduce_min3A_28 [0] : vector<1024x512xi32> to vector<512xi32>
    %broadcast_in_dim3A_30 = vector.shape_cast %reduce_min3A_29 : vector<512xi32> to vector<1x512xi32>
    %lt3A = arith.cmpf olt, %broadcast_in_dim3A_24, %broadcast_in_dim3A_8 : vector<1x512xf32>
    %select_n3A_31 = arith.select %lt3A, %broadcast_in_dim3A_24, %broadcast_in_dim3A_8 : vector<1x512xi1>, vector<1x512xf32>
    %add3A_32 = arith.constant 0 : i32
    %add3A_33 = vector.broadcast %add3A_32 : i32 to vector<1x512xi32>
    %add3A_34 = arith.addi %broadcast_in_dim3A_30, %add3A_33 : vector<1x512xi32>
    %select_n3A_35 = arith.select %lt3A, %add3A_34, %broadcast_in_dim3A_10 : vector<1x512xi1>, vector<1x512xi32>
    %get3A_36 = arith.constant 1024 : index
    %get3A_37 = arith.constant 0 : index
    %get3A_38 = vector.load %arg3[%get3A_36, %get3A_37] : memref<8192x32xf32, #tpu.memory_space<vmem>>, vector<1024x32xf32>
    %get3A_39 = arith.constant 0 : index
    %get3A_40 = arith.constant 1 : index
    %get3A_41 = vector.load %arg8[%get3A_39, %get3A_40] : memref<1024x8xf32, #tpu.memory_space<vmem>>, vector<1024x1xf32>
    %dot_general3A_42 = arith.constant dense<0.000000e+00> : vector<1024x512xf32>
    %dot_general3A_43 = tpu.matmul %get3A_38, %get3A_3, %dot_general3A_42 {dimension_numbers = #tpu.dot_dimension_numbers<[1], [0], [0], [1], [0, 0, 1, 1], [], []>, transpose_lhs_hint = false} : vector<1024x32xf32>, vector<32x512xf32>, vector<1024x512xf32> -> vector<1024x512xf32>
    %add3A_44 = vector.broadcast %broadcast_in_dim3A : vector<1x512xf32> to vector<1024x512xf32>
    %add3A_45 = vector.broadcast %get3A_41 : vector<1024x1xf32> to vector<1024x512xf32>
    %add3A_46 = arith.addf %add3A_44, %add3A_45 : vector<1024x512xf32>
    %mul3A_47 = arith.constant 2.000000e+00 : f32
    %mul3A_48 = vector.broadcast %mul3A_47 : f32 to vector<1024x512xf32>
    %mul3A_49 = arith.mulf %mul3A_48, %dot_general3A_43 : vector<1024x512xf32>
    %sub3A_50 = arith.subf %add3A_46, %mul3A_49 : vector<1024x512xf32>
    %reduce_min3A_51 = arith.constant dense<0x7F800000> : vector<512xf32>
    %reduce_min3A_52 = vector.multi_reduction <minimumf>, %sub3A_50, %reduce_min3A_51 [0] : vector<1024x512xf32> to vector<512xf32>
    %broadcast_in_dim3A_53 = vector.shape_cast %reduce_min3A_52 : vector<512xf32> to vector<1x512xf32>
    %iota3A_54 = tpu.iota {dimensions = array<i32: 0>} : vector<1024x512xi32>
    %eq3A_55 = vector.broadcast %broadcast_in_dim3A_53 : vector<1x512xf32> to vector<1024x512xf32>
    %eq3A_56 = arith.cmpf oeq, %sub3A_50, %eq3A_55 : vector<1024x512xf32>
    %jit3A_57 = arith.constant 8192 : i32
    %broadcast_in_dim3A_58 = vector.broadcast %jit3A_57 : i32 to vector<1024x512xi32>
    %select_n3A_59 = arith.select %eq3A_56, %iota3A_54, %broadcast_in_dim3A_58 : vector<1024x512xi1>, vector<1024x512xi32>
    %reduce_min3A_60 = arith.constant dense<2147483647> : vector<512xi32>
    %reduce_min3A_61 = vector.multi_reduction <minsi>, %select_n3A_59, %reduce_min3A_60 [0] : vector<1024x512xi32> to vector<512xi32>
    %broadcast_in_dim3A_62 = vector.shape_cast %reduce_min3A_61 : vector<512xi32> to vector<1x512xi32>
    %lt3A_63 = arith.cmpf olt, %broadcast_in_dim3A_53, %select_n3A_31 : vector<1x512xf32>
    %select_n3A_64 = arith.select %lt3A_63, %broadcast_in_dim3A_53, %select_n3A_31 : vector<1x512xi1>, vector<1x512xf32>
    %add3A_65 = arith.constant 1024 : i32
    %add3A_66 = vector.broadcast %add3A_65 : i32 to vector<1x512xi32>
    %add3A_67 = arith.addi %broadcast_in_dim3A_62, %add3A_66 : vector<1x512xi32>
    %select_n3A_68 = arith.select %lt3A_63, %add3A_67, %select_n3A_35 : vector<1x512xi1>, vector<1x512xi32>
    %get3A_69 = arith.constant 2048 : index
    %get3A_70 = arith.constant 0 : index
    %get3A_71 = vector.load %arg3[%get3A_69, %get3A_70] : memref<8192x32xf32, #tpu.memory_space<vmem>>, vector<1024x32xf32>
    %get3A_72 = arith.constant 0 : index
    %get3A_73 = arith.constant 2 : index
    %get3A_74 = vector.load %arg8[%get3A_72, %get3A_73] : memref<1024x8xf32, #tpu.memory_space<vmem>>, vector<1024x1xf32>
    %dot_general3A_75 = arith.constant dense<0.000000e+00> : vector<1024x512xf32>
    %dot_general3A_76 = tpu.matmul %get3A_71, %get3A_3, %dot_general3A_75 {dimension_numbers = #tpu.dot_dimension_numbers<[1], [0], [0], [1], [0, 0, 1, 1], [], []>, transpose_lhs_hint = false} : vector<1024x32xf32>, vector<32x512xf32>, vector<1024x512xf32> -> vector<1024x512xf32>
    %add3A_77 = vector.broadcast %broadcast_in_dim3A : vector<1x512xf32> to vector<1024x512xf32>
    %add3A_78 = vector.broadcast %get3A_74 : vector<1024x1xf32> to vector<1024x512xf32>
    %add3A_79 = arith.addf %add3A_77, %add3A_78 : vector<1024x512xf32>
    %mul3A_80 = arith.constant 2.000000e+00 : f32
    %mul3A_81 = vector.broadcast %mul3A_80 : f32 to vector<1024x512xf32>
    %mul3A_82 = arith.mulf %mul3A_81, %dot_general3A_76 : vector<1024x512xf32>
    %sub3A_83 = arith.subf %add3A_79, %mul3A_82 : vector<1024x512xf32>
    %reduce_min3A_84 = arith.constant dense<0x7F800000> : vector<512xf32>
    %reduce_min3A_85 = vector.multi_reduction <minimumf>, %sub3A_83, %reduce_min3A_84 [0] : vector<1024x512xf32> to vector<512xf32>
    %broadcast_in_dim3A_86 = vector.shape_cast %reduce_min3A_85 : vector<512xf32> to vector<1x512xf32>
    %iota3A_87 = tpu.iota {dimensions = array<i32: 0>} : vector<1024x512xi32>
    %eq3A_88 = vector.broadcast %broadcast_in_dim3A_86 : vector<1x512xf32> to vector<1024x512xf32>
    %eq3A_89 = arith.cmpf oeq, %sub3A_83, %eq3A_88 : vector<1024x512xf32>
    %jit3A_90 = arith.constant 8192 : i32
    %broadcast_in_dim3A_91 = vector.broadcast %jit3A_90 : i32 to vector<1024x512xi32>
    %select_n3A_92 = arith.select %eq3A_89, %iota3A_87, %broadcast_in_dim3A_91 : vector<1024x512xi1>, vector<1024x512xi32>
    %reduce_min3A_93 = arith.constant dense<2147483647> : vector<512xi32>
    %reduce_min3A_94 = vector.multi_reduction <minsi>, %select_n3A_92, %reduce_min3A_93 [0] : vector<1024x512xi32> to vector<512xi32>
    %broadcast_in_dim3A_95 = vector.shape_cast %reduce_min3A_94 : vector<512xi32> to vector<1x512xi32>
    %lt3A_96 = arith.cmpf olt, %broadcast_in_dim3A_86, %select_n3A_64 : vector<1x512xf32>
    %select_n3A_97 = arith.select %lt3A_96, %broadcast_in_dim3A_86, %select_n3A_64 : vector<1x512xi1>, vector<1x512xf32>
    %add3A_98 = arith.constant 2048 : i32
    %add3A_99 = vector.broadcast %add3A_98 : i32 to vector<1x512xi32>
    %add3A_100 = arith.addi %broadcast_in_dim3A_95, %add3A_99 : vector<1x512xi32>
    %select_n3A_101 = arith.select %lt3A_96, %add3A_100, %select_n3A_68 : vector<1x512xi1>, vector<1x512xi32>
    %get3A_102 = arith.constant 3072 : index
    %get3A_103 = arith.constant 0 : index
    %get3A_104 = vector.load %arg3[%get3A_102, %get3A_103] : memref<8192x32xf32, #tpu.memory_space<vmem>>, vector<1024x32xf32>
    %get3A_105 = arith.constant 0 : index
    %get3A_106 = arith.constant 3 : index
    %get3A_107 = vector.load %arg8[%get3A_105, %get3A_106] : memref<1024x8xf32, #tpu.memory_space<vmem>>, vector<1024x1xf32>
    %dot_general3A_108 = arith.constant dense<0.000000e+00> : vector<1024x512xf32>
    %dot_general3A_109 = tpu.matmul %get3A_104, %get3A_3, %dot_general3A_108 {dimension_numbers = #tpu.dot_dimension_numbers<[1], [0], [0], [1], [0, 0, 1, 1], [], []>, transpose_lhs_hint = false} : vector<1024x32xf32>, vector<32x512xf32>, vector<1024x512xf32> -> vector<1024x512xf32>
    %add3A_110 = vector.broadcast %broadcast_in_dim3A : vector<1x512xf32> to vector<1024x512xf32>
    %add3A_111 = vector.broadcast %get3A_107 : vector<1024x1xf32> to vector<1024x512xf32>
    %add3A_112 = arith.addf %add3A_110, %add3A_111 : vector<1024x512xf32>
    %mul3A_113 = arith.constant 2.000000e+00 : f32
    %mul3A_114 = vector.broadcast %mul3A_113 : f32 to vector<1024x512xf32>
    %mul3A_115 = arith.mulf %mul3A_114, %dot_general3A_109 : vector<1024x512xf32>
    %sub3A_116 = arith.subf %add3A_112, %mul3A_115 : vector<1024x512xf32>
    %reduce_min3A_117 = arith.constant dense<0x7F800000> : vector<512xf32>
    %reduce_min3A_118 = vector.multi_reduction <minimumf>, %sub3A_116, %reduce_min3A_117 [0] : vector<1024x512xf32> to vector<512xf32>
    %broadcast_in_dim3A_119 = vector.shape_cast %reduce_min3A_118 : vector<512xf32> to vector<1x512xf32>
    %iota3A_120 = tpu.iota {dimensions = array<i32: 0>} : vector<1024x512xi32>
    %eq3A_121 = vector.broadcast %broadcast_in_dim3A_119 : vector<1x512xf32> to vector<1024x512xf32>
    %eq3A_122 = arith.cmpf oeq, %sub3A_116, %eq3A_121 : vector<1024x512xf32>
    %jit3A_123 = arith.constant 8192 : i32
    %broadcast_in_dim3A_124 = vector.broadcast %jit3A_123 : i32 to vector<1024x512xi32>
    %select_n3A_125 = arith.select %eq3A_122, %iota3A_120, %broadcast_in_dim3A_124 : vector<1024x512xi1>, vector<1024x512xi32>
    %reduce_min3A_126 = arith.constant dense<2147483647> : vector<512xi32>
    %reduce_min3A_127 = vector.multi_reduction <minsi>, %select_n3A_125, %reduce_min3A_126 [0] : vector<1024x512xi32> to vector<512xi32>
    %broadcast_in_dim3A_128 = vector.shape_cast %reduce_min3A_127 : vector<512xi32> to vector<1x512xi32>
    %lt3A_129 = arith.cmpf olt, %broadcast_in_dim3A_119, %select_n3A_97 : vector<1x512xf32>
    %select_n3A_130 = arith.select %lt3A_129, %broadcast_in_dim3A_119, %select_n3A_97 : vector<1x512xi1>, vector<1x512xf32>
    %add3A_131 = arith.constant 3072 : i32
    %add3A_132 = vector.broadcast %add3A_131 : i32 to vector<1x512xi32>
    %add3A_133 = arith.addi %broadcast_in_dim3A_128, %add3A_132 : vector<1x512xi32>
    %select_n3A_134 = arith.select %lt3A_129, %add3A_133, %select_n3A_101 : vector<1x512xi1>, vector<1x512xi32>
    %get3A_135 = arith.constant 4096 : index
    %get3A_136 = arith.constant 0 : index
    %get3A_137 = vector.load %arg3[%get3A_135, %get3A_136] : memref<8192x32xf32, #tpu.memory_space<vmem>>, vector<1024x32xf32>
    %get3A_138 = arith.constant 0 : index
    %get3A_139 = arith.constant 4 : index
    %get3A_140 = vector.load %arg8[%get3A_138, %get3A_139] : memref<1024x8xf32, #tpu.memory_space<vmem>>, vector<1024x1xf32>
    %dot_general3A_141 = arith.constant dense<0.000000e+00> : vector<1024x512xf32>
    %dot_general3A_142 = tpu.matmul %get3A_137, %get3A_3, %dot_general3A_141 {dimension_numbers = #tpu.dot_dimension_numbers<[1], [0], [0], [1], [0, 0, 1, 1], [], []>, transpose_lhs_hint = false} : vector<1024x32xf32>, vector<32x512xf32>, vector<1024x512xf32> -> vector<1024x512xf32>
    %add3A_143 = vector.broadcast %broadcast_in_dim3A : vector<1x512xf32> to vector<1024x512xf32>
    %add3A_144 = vector.broadcast %get3A_140 : vector<1024x1xf32> to vector<1024x512xf32>
    %add3A_145 = arith.addf %add3A_143, %add3A_144 : vector<1024x512xf32>
    %mul3A_146 = arith.constant 2.000000e+00 : f32
    %mul3A_147 = vector.broadcast %mul3A_146 : f32 to vector<1024x512xf32>
    %mul3A_148 = arith.mulf %mul3A_147, %dot_general3A_142 : vector<1024x512xf32>
    %sub3A_149 = arith.subf %add3A_145, %mul3A_148 : vector<1024x512xf32>
    %reduce_min3A_150 = arith.constant dense<0x7F800000> : vector<512xf32>
    %reduce_min3A_151 = vector.multi_reduction <minimumf>, %sub3A_149, %reduce_min3A_150 [0] : vector<1024x512xf32> to vector<512xf32>
    %broadcast_in_dim3A_152 = vector.shape_cast %reduce_min3A_151 : vector<512xf32> to vector<1x512xf32>
    %iota3A_153 = tpu.iota {dimensions = array<i32: 0>} : vector<1024x512xi32>
    %eq3A_154 = vector.broadcast %broadcast_in_dim3A_152 : vector<1x512xf32> to vector<1024x512xf32>
    %eq3A_155 = arith.cmpf oeq, %sub3A_149, %eq3A_154 : vector<1024x512xf32>
    %jit3A_156 = arith.constant 8192 : i32
    %broadcast_in_dim3A_157 = vector.broadcast %jit3A_156 : i32 to vector<1024x512xi32>
    %select_n3A_158 = arith.select %eq3A_155, %iota3A_153, %broadcast_in_dim3A_157 : vector<1024x512xi1>, vector<1024x512xi32>
    %reduce_min3A_159 = arith.constant dense<2147483647> : vector<512xi32>
    %reduce_min3A_160 = vector.multi_reduction <minsi>, %select_n3A_158, %reduce_min3A_159 [0] : vector<1024x512xi32> to vector<512xi32>
    %broadcast_in_dim3A_161 = vector.shape_cast %reduce_min3A_160 : vector<512xi32> to vector<1x512xi32>
    %lt3A_162 = arith.cmpf olt, %broadcast_in_dim3A_152, %select_n3A_130 : vector<1x512xf32>
    %select_n3A_163 = arith.select %lt3A_162, %broadcast_in_dim3A_152, %select_n3A_130 : vector<1x512xi1>, vector<1x512xf32>
    %add3A_164 = arith.constant 4096 : i32
    %add3A_165 = vector.broadcast %add3A_164 : i32 to vector<1x512xi32>
    %add3A_166 = arith.addi %broadcast_in_dim3A_161, %add3A_165 : vector<1x512xi32>
    %select_n3A_167 = arith.select %lt3A_162, %add3A_166, %select_n3A_134 : vector<1x512xi1>, vector<1x512xi32>
    %get3A_168 = arith.constant 5120 : index
    %get3A_169 = arith.constant 0 : index
    %get3A_170 = vector.load %arg3[%get3A_168, %get3A_169] : memref<8192x32xf32, #tpu.memory_space<vmem>>, vector<1024x32xf32>
    %get3A_171 = arith.constant 0 : index
    %get3A_172 = arith.constant 5 : index
    %get3A_173 = vector.load %arg8[%get3A_171, %get3A_172] : memref<1024x8xf32, #tpu.memory_space<vmem>>, vector<1024x1xf32>
    %dot_general3A_174 = arith.constant dense<0.000000e+00> : vector<1024x512xf32>
    %dot_general3A_175 = tpu.matmul %get3A_170, %get3A_3, %dot_general3A_174 {dimension_numbers = #tpu.dot_dimension_numbers<[1], [0], [0], [1], [0, 0, 1, 1], [], []>, transpose_lhs_hint = false} : vector<1024x32xf32>, vector<32x512xf32>, vector<1024x512xf32> -> vector<1024x512xf32>
    %add3A_176 = vector.broadcast %broadcast_in_dim3A : vector<1x512xf32> to vector<1024x512xf32>
    %add3A_177 = vector.broadcast %get3A_173 : vector<1024x1xf32> to vector<1024x512xf32>
    %add3A_178 = arith.addf %add3A_176, %add3A_177 : vector<1024x512xf32>
    %mul3A_179 = arith.constant 2.000000e+00 : f32
    %mul3A_180 = vector.broadcast %mul3A_179 : f32 to vector<1024x512xf32>
    %mul3A_181 = arith.mulf %mul3A_180, %dot_general3A_175 : vector<1024x512xf32>
    %sub3A_182 = arith.subf %add3A_178, %mul3A_181 : vector<1024x512xf32>
    %reduce_min3A_183 = arith.constant dense<0x7F800000> : vector<512xf32>
    %reduce_min3A_184 = vector.multi_reduction <minimumf>, %sub3A_182, %reduce_min3A_183 [0] : vector<1024x512xf32> to vector<512xf32>
    %broadcast_in_dim3A_185 = vector.shape_cast %reduce_min3A_184 : vector<512xf32> to vector<1x512xf32>
    %iota3A_186 = tpu.iota {dimensions = array<i32: 0>} : vector<1024x512xi32>
    %eq3A_187 = vector.broadcast %broadcast_in_dim3A_185 : vector<1x512xf32> to vector<1024x512xf32>
    %eq3A_188 = arith.cmpf oeq, %sub3A_182, %eq3A_187 : vector<1024x512xf32>
    %jit3A_189 = arith.constant 8192 : i32
    %broadcast_in_dim3A_190 = vector.broadcast %jit3A_189 : i32 to vector<1024x512xi32>
    %select_n3A_191 = arith.select %eq3A_188, %iota3A_186, %broadcast_in_dim3A_190 : vector<1024x512xi1>, vector<1024x512xi32>
    %reduce_min3A_192 = arith.constant dense<2147483647> : vector<512xi32>
    %reduce_min3A_193 = vector.multi_reduction <minsi>, %select_n3A_191, %reduce_min3A_192 [0] : vector<1024x512xi32> to vector<512xi32>
    %broadcast_in_dim3A_194 = vector.shape_cast %reduce_min3A_193 : vector<512xi32> to vector<1x512xi32>
    %lt3A_195 = arith.cmpf olt, %broadcast_in_dim3A_185, %select_n3A_163 : vector<1x512xf32>
    %select_n3A_196 = arith.select %lt3A_195, %broadcast_in_dim3A_185, %select_n3A_163 : vector<1x512xi1>, vector<1x512xf32>
    %add3A_197 = arith.constant 5120 : i32
    %add3A_198 = vector.broadcast %add3A_197 : i32 to vector<1x512xi32>
    %add3A_199 = arith.addi %broadcast_in_dim3A_194, %add3A_198 : vector<1x512xi32>
    %select_n3A_200 = arith.select %lt3A_195, %add3A_199, %select_n3A_167 : vector<1x512xi1>, vector<1x512xi32>
    %get3A_201 = arith.constant 6144 : index
    %get3A_202 = arith.constant 0 : index
    %get3A_203 = vector.load %arg3[%get3A_201, %get3A_202] : memref<8192x32xf32, #tpu.memory_space<vmem>>, vector<1024x32xf32>
    %get3A_204 = arith.constant 0 : index
    %get3A_205 = arith.constant 6 : index
    %get3A_206 = vector.load %arg8[%get3A_204, %get3A_205] : memref<1024x8xf32, #tpu.memory_space<vmem>>, vector<1024x1xf32>
    %dot_general3A_207 = arith.constant dense<0.000000e+00> : vector<1024x512xf32>
    %dot_general3A_208 = tpu.matmul %get3A_203, %get3A_3, %dot_general3A_207 {dimension_numbers = #tpu.dot_dimension_numbers<[1], [0], [0], [1], [0, 0, 1, 1], [], []>, transpose_lhs_hint = false} : vector<1024x32xf32>, vector<32x512xf32>, vector<1024x512xf32> -> vector<1024x512xf32>
    %add3A_209 = vector.broadcast %broadcast_in_dim3A : vector<1x512xf32> to vector<1024x512xf32>
    %add3A_210 = vector.broadcast %get3A_206 : vector<1024x1xf32> to vector<1024x512xf32>
    %add3A_211 = arith.addf %add3A_209, %add3A_210 : vector<1024x512xf32>
    %mul3A_212 = arith.constant 2.000000e+00 : f32
    %mul3A_213 = vector.broadcast %mul3A_212 : f32 to vector<1024x512xf32>
    %mul3A_214 = arith.mulf %mul3A_213, %dot_general3A_208 : vector<1024x512xf32>
    %sub3A_215 = arith.subf %add3A_211, %mul3A_214 : vector<1024x512xf32>
    %reduce_min3A_216 = arith.constant dense<0x7F800000> : vector<512xf32>
    %reduce_min3A_217 = vector.multi_reduction <minimumf>, %sub3A_215, %reduce_min3A_216 [0] : vector<1024x512xf32> to vector<512xf32>
    %broadcast_in_dim3A_218 = vector.shape_cast %reduce_min3A_217 : vector<512xf32> to vector<1x512xf32>
    %iota3A_219 = tpu.iota {dimensions = array<i32: 0>} : vector<1024x512xi32>
    %eq3A_220 = vector.broadcast %broadcast_in_dim3A_218 : vector<1x512xf32> to vector<1024x512xf32>
    %eq3A_221 = arith.cmpf oeq, %sub3A_215, %eq3A_220 : vector<1024x512xf32>
    %jit3A_222 = arith.constant 8192 : i32
    %broadcast_in_dim3A_223 = vector.broadcast %jit3A_222 : i32 to vector<1024x512xi32>
    %select_n3A_224 = arith.select %eq3A_221, %iota3A_219, %broadcast_in_dim3A_223 : vector<1024x512xi1>, vector<1024x512xi32>
    %reduce_min3A_225 = arith.constant dense<2147483647> : vector<512xi32>
    %reduce_min3A_226 = vector.multi_reduction <minsi>, %select_n3A_224, %reduce_min3A_225 [0] : vector<1024x512xi32> to vector<512xi32>
    %broadcast_in_dim3A_227 = vector.shape_cast %reduce_min3A_226 : vector<512xi32> to vector<1x512xi32>
    %lt3A_228 = arith.cmpf olt, %broadcast_in_dim3A_218, %select_n3A_196 : vector<1x512xf32>
    %select_n3A_229 = arith.select %lt3A_228, %broadcast_in_dim3A_218, %select_n3A_196 : vector<1x512xi1>, vector<1x512xf32>
    %add3A_230 = arith.constant 6144 : i32
    %add3A_231 = vector.broadcast %add3A_230 : i32 to vector<1x512xi32>
    %add3A_232 = arith.addi %broadcast_in_dim3A_227, %add3A_231 : vector<1x512xi32>
    %select_n3A_233 = arith.select %lt3A_228, %add3A_232, %select_n3A_200 : vector<1x512xi1>, vector<1x512xi32>
    %get3A_234 = arith.constant 7168 : index
    %get3A_235 = arith.constant 0 : index
    %get3A_236 = vector.load %arg3[%get3A_234, %get3A_235] : memref<8192x32xf32, #tpu.memory_space<vmem>>, vector<1024x32xf32>
    %get3A_237 = arith.constant 0 : index
    %get3A_238 = arith.constant 7 : index
    %get3A_239 = vector.load %arg8[%get3A_237, %get3A_238] : memref<1024x8xf32, #tpu.memory_space<vmem>>, vector<1024x1xf32>
    %dot_general3A_240 = arith.constant dense<0.000000e+00> : vector<1024x512xf32>
    %dot_general3A_241 = tpu.matmul %get3A_236, %get3A_3, %dot_general3A_240 {dimension_numbers = #tpu.dot_dimension_numbers<[1], [0], [0], [1], [0, 0, 1, 1], [], []>, transpose_lhs_hint = false} : vector<1024x32xf32>, vector<32x512xf32>, vector<1024x512xf32> -> vector<1024x512xf32>
    %add3A_242 = vector.broadcast %broadcast_in_dim3A : vector<1x512xf32> to vector<1024x512xf32>
    %add3A_243 = vector.broadcast %get3A_239 : vector<1024x1xf32> to vector<1024x512xf32>
    %add3A_244 = arith.addf %add3A_242, %add3A_243 : vector<1024x512xf32>
    %mul3A_245 = arith.constant 2.000000e+00 : f32
    %mul3A_246 = vector.broadcast %mul3A_245 : f32 to vector<1024x512xf32>
    %mul3A_247 = arith.mulf %mul3A_246, %dot_general3A_241 : vector<1024x512xf32>
    %sub3A_248 = arith.subf %add3A_244, %mul3A_247 : vector<1024x512xf32>
    %reduce_min3A_249 = arith.constant dense<0x7F800000> : vector<512xf32>
    %reduce_min3A_250 = vector.multi_reduction <minimumf>, %sub3A_248, %reduce_min3A_249 [0] : vector<1024x512xf32> to vector<512xf32>
    %broadcast_in_dim3A_251 = vector.shape_cast %reduce_min3A_250 : vector<512xf32> to vector<1x512xf32>
    %iota3A_252 = tpu.iota {dimensions = array<i32: 0>} : vector<1024x512xi32>
    %eq3A_253 = vector.broadcast %broadcast_in_dim3A_251 : vector<1x512xf32> to vector<1024x512xf32>
    %eq3A_254 = arith.cmpf oeq, %sub3A_248, %eq3A_253 : vector<1024x512xf32>
    %jit3A_255 = arith.constant 8192 : i32
    %broadcast_in_dim3A_256 = vector.broadcast %jit3A_255 : i32 to vector<1024x512xi32>
    %select_n3A_257 = arith.select %eq3A_254, %iota3A_252, %broadcast_in_dim3A_256 : vector<1024x512xi1>, vector<1024x512xi32>
    %reduce_min3A_258 = arith.constant dense<2147483647> : vector<512xi32>
    %reduce_min3A_259 = vector.multi_reduction <minsi>, %select_n3A_257, %reduce_min3A_258 [0] : vector<1024x512xi32> to vector<512xi32>
    %broadcast_in_dim3A_260 = vector.shape_cast %reduce_min3A_259 : vector<512xi32> to vector<1x512xi32>
    %lt3A_261 = arith.cmpf olt, %broadcast_in_dim3A_251, %select_n3A_229 : vector<1x512xf32>
    %select_n3A_262 = arith.select %lt3A_261, %broadcast_in_dim3A_251, %select_n3A_229 : vector<1x512xi1>, vector<1x512xf32>
    %add3A_263 = arith.constant 7168 : i32
    %add3A_264 = vector.broadcast %add3A_263 : i32 to vector<1x512xi32>
    %add3A_265 = arith.addi %broadcast_in_dim3A_260, %add3A_264 : vector<1x512xi32>
    %select_n3A_266 = arith.select %lt3A_261, %add3A_265, %select_n3A_233 : vector<1x512xi1>, vector<1x512xi32>
    %reshape3A = vector.shape_cast %select_n3A_266 : vector<1x512xi32> to vector<1x512x1xi32>
    %swap3A = arith.constant 0 : index
    %swap3A_267 = arith.constant 0 : index
    %swap3A_268 = arith.constant 0 : index
    %swap3A_269 = vector.load %arg4[%swap3A, %swap3A_267, %swap3A_268] : memref<1x512x1xi32, #tpu.memory_space<vmem>>, vector<1x512x1xi32>
    tpu.vector_store %arg4[%swap3A, %swap3A_267, %swap3A_268], %reshape3A {strides = array<i32>} : memref<1x512x1xi32, #tpu.memory_space<vmem>>, vector<1x512x1xi32>,
    %and3A = arith.constant 1023 : i32
    %and3A_270 = vector.broadcast %and3A : i32 to vector<1x512xi32>
    %and3A_271 = arith.andi %select_n3A_266, %and3A_270 : vector<1x512xi32>
    %shift_right_arithmetic3A = arith.constant 10 : i32
    %shift_right_arithmetic3A_272 = vector.broadcast %shift_right_arithmetic3A : i32 to vector<1x512xi32>
    %shift_right_arithmetic3A_273 = arith.shrsi %select_n3A_266, %shift_right_arithmetic3A_272 : vector<1x512xi32>
    %iota3A_274 = tpu.iota {dimensions = array<i32: 0>} : vector<1024x512xi32>
    %eq3A_275 = vector.broadcast %and3A_271 : vector<1x512xi32> to vector<1024x512xi32>
    %eq3A_276 = arith.cmpi eq, %eq3A_275, %iota3A_274 : vector<1024x512xi32>
    %convert_element_type3A_277 = arith.extui %eq3A_276 : vector<1024x512xi1> to vector<1024x512xi32>
    %convert_element_type3A_278 = arith.sitofp %convert_element_type3A_277 : vector<1024x512xi32> to vector<1024x512xf32>
    %iota3A_279 = tpu.iota {dimensions = array<i32: 0>} : vector<8x512xi32>
    %eq3A_280 = vector.broadcast %shift_right_arithmetic3A_273 : vector<1x512xi32> to vector<8x512xi32>
    %eq3A_281 = arith.cmpi eq, %eq3A_280, %iota3A_279 : vector<8x512xi32>
    %convert_element_type3A_282 = arith.extui %eq3A_281 : vector<8x512xi1> to vector<8x512xi32>
    %convert_element_type3A_283 = arith.sitofp %convert_element_type3A_282 : vector<8x512xi32> to vector<8x512xf32>
    %get3A_284 = arith.constant 0 : index
    %get3A_285 = arith.constant 0 : index
    %get3A_286 = vector.load %arg7[%get3A_284, %get3A_285] : memref<1024x8xf32, #tpu.memory_space<vmem>>, vector<1024x8xf32>
    %dot_general3A_287 = arith.constant dense<0.000000e+00> : vector<1024x8xf32>
    %dot_general3A_288 = tpu.matmul %convert_element_type3A_278, %convert_element_type3A_283, %dot_general3A_287 {dimension_numbers = #tpu.dot_dimension_numbers<[1], [1], [0], [0], [0, 0, 1, 0], [], []>, transpose_lhs_hint = false} : vector<1024x512xf32>, vector<8x512xf32>, vector<1024x8xf32> -> vector<1024x8xf32>
    %add3A_289 = arith.addf %get3A_286, %dot_general3A_288 : vector<1024x8xf32>
    %swap3A_290 = arith.constant 0 : index
    %swap3A_291 = arith.constant 0 : index
    %swap3A_292 = vector.load %arg7[%swap3A_290, %swap3A_291] : memref<1024x8xf32, #tpu.memory_space<vmem>>, vector<1024x8xf32>
    tpu.vector_store %arg7[%swap3A_290, %swap3A_291], %add3A_289 {strides = array<i32>} : memref<1024x8xf32, #tpu.memory_space<vmem>>, vector<1024x8xf32>,
    %get3A_293 = arith.constant 0 : index
    %get3A_294 = memref.load %arg9[%get3A_293] : memref<1xf32, #tpu.memory_space<smem>>
    %reduce_sum3A_295 = vector.shape_cast %select_n3A_262 : vector<1x512xf32> to vector<1x1x512xf32>
    %reduce_sum3A_296 = arith.constant dense<0.000000e+00> : vector<1xf32>
    %reduce_sum3A_297 = vector.multi_reduction <add>, %reduce_sum3A_295, %reduce_sum3A_296 [1, 2] : vector<1x1x512xf32> to vector<1xf32>
    %reduce_sum3A_298 = vector.shape_cast %reduce_sum3A_297 : vector<1xf32> to vector<1x1x1xf32>
    %reduce_sum3A_299 = vector.extract %reduce_sum3A_298[0, 0, 0] : f32 from vector<1x1x1xf32>
    %add3A_300 = arith.addf %get3A_294, %reduce_sum3A_299 : f32
    %swap3A_301 = arith.constant 0 : index
    %swap3A_302 = memref.load %arg9[%swap3A_301] : memref<1xf32, #tpu.memory_space<smem>>
    memref.store %add3A_300, %arg9[%swap3A_301] : memref<1xf32, #tpu.memory_space<smem>>
    %eq3A_303 = arith.constant 7 : i32
    %eq3A_304 = arith.cmpi eq, %arg0, %eq3A_303 : i32
    %convert_element_type3A_305 = arith.extui %eq3A_304 : i1 to i32
    %cond3A_306 = arith.constant 0 : i32
    %cond3A_307 = arith.cmpi ne, %convert_element_type3A_305, %cond3A_306 : i32
    scf.if %cond3A_307 {
      %get3A_308 = arith.constant 0 : index
      %get3A_309 = memref.load %arg9[%get3A_308] : memref<1xf32, #tpu.memory_space<smem>>
      %div3A = arith.constant 1.310720e+05 : f32
      %div3A_310 = arith.divf %get3A_309, %div3A : f32
      %get3A_311 = arith.constant 0 : index
      %get3A_312 = memref.load %arg1[%get3A_311] : memref<1xf32, #tpu.memory_space<smem>>
      %mul3A_313 = arith.mulf %get3A_312, %div3A_310 : f32
      %add3A_314 = arith.addf %mul3A_313, %div3A_310 : f32
      %mul3A_315 = arith.constant 1.000000e+01 : f32
      %mul3A_316 = arith.mulf %add3A_314, %mul3A_315 : f32
      %swap3A_317 = arith.constant 0 : index
      %swap3A_318 = arith.constant 0 : index
      %swap3A_319 = memref.load %arg5[%swap3A_317, %swap3A_318] : memref<1x1xf32, #tpu.memory_space<smem>>
      memref.store %mul3A_316, %arg5[%swap3A_317, %swap3A_318] : memref<1x1xf32, #tpu.memory_space<smem>>
      %get3A_320 = arith.constant 0 : index
      %get3A_321 = arith.constant 0 : index
      %get3A_322 = vector.load %arg7[%get3A_320, %get3A_321] : memref<1024x8xf32, #tpu.memory_space<vmem>>, vector<1024x8xf32>
      %div3A_323 = arith.constant 4.096000e+03 : f32
      %div3A_324 = vector.broadcast %div3A_323 : f32 to vector<1024x8xf32>
      %div3A_325 = arith.divf %get3A_322, %div3A_324 : vector<1024x8xf32>
      %add3A_326 = arith.constant 1.000000e-10 : f32
      %add3A_327 = vector.broadcast %add3A_326 : f32 to vector<1024x8xf32>
      %add3A_328 = arith.addf %div3A_325, %add3A_327 : vector<1024x8xf32>
      %log3A = math.log %add3A_328 : vector<1024x8xf32>
      %mul3A_329 = arith.mulf %div3A_325, %log3A : vector<1024x8xf32>
      %reduce_sum3A_330 = vector.shape_cast %mul3A_329 : vector<1024x8xf32> to vector<1x1024x8xf32>
      %reduce_sum3A_331 = arith.constant dense<0.000000e+00> : vector<1xf32>
      %reduce_sum3A_332 = vector.multi_reduction <add>, %reduce_sum3A_330, %reduce_sum3A_331 [1, 2] : vector<1x1024x8xf32> to vector<1xf32>
      %reduce_sum3A_333 = vector.shape_cast %reduce_sum3A_332 : vector<1xf32> to vector<1x1x1xf32>
      %reduce_sum3A_334 = vector.extract %reduce_sum3A_333[0, 0, 0] : f32 from vector<1x1x1xf32>
      %neg3A = arith.constant 0.000000e+00 : f32
      %neg3A_335 = arith.subf %neg3A, %reduce_sum3A_334 : f32
      %exp3A = math.exp %neg3A_335 : f32
      %swap3A_336 = arith.constant 0 : index
      %swap3A_337 = arith.constant 0 : index
      %swap3A_338 = memref.load %arg6[%swap3A_336, %swap3A_337] : memref<1x1xf32, #tpu.memory_space<smem>>
      memref.store %exp3A, %arg6[%swap3A_336, %swap3A_337] : memref<1x1xf32, #tpu.memory_space<smem>>
    } else {
    }
    return
  }
  func.func @transform_0(%arg0: i32) -> i32 {
    %c0_i32 = arith.constant 0 : i32
    %c0_i32_0 = arith.constant 0 : i32
    return %c0_i32 : i32
  }
  func.func @transform_1(%arg0: i32) -> (i32, i32, i32) {
    %jit3A = arith.constant 2 : i32
    %div3A = arith.divsi %arg0, %jit3A : i32
    %sign3A = arith.constant 0 : i32
    %sign3A_0 = arith.cmpi sgt, %arg0, %sign3A : i32
    %sign3A_1 = arith.extui %sign3A_0 : i1 to i32
    %sign3A_2 = arith.constant 0 : i32
    %sign3A_3 = arith.cmpi slt, %arg0, %sign3A_2 : i32
    %sign3A_4 = arith.extui %sign3A_3 : i1 to i32
    %sign3A_5 = arith.subi %sign3A_1, %sign3A_4 : i32
    %sign3A_6 = arith.constant 0 : i32
    %sign3A_7 = arith.cmpi sgt, %jit3A, %sign3A_6 : i32
    %sign3A_8 = arith.extui %sign3A_7 : i1 to i32
    %sign3A_9 = arith.constant 0 : i32
    %sign3A_10 = arith.cmpi slt, %jit3A, %sign3A_9 : i32
    %sign3A_11 = arith.extui %sign3A_10 : i1 to i32
    %sign3A_12 = arith.subi %sign3A_8, %sign3A_11 : i32
    %ne3A = arith.cmpi ne, %sign3A_5, %sign3A_12 : i32
    %rem3A = arith.remsi %arg0, %jit3A : i32
    %ne3A_13 = arith.constant 0 : i32
    %ne3A_14 = arith.cmpi ne, %rem3A, %ne3A_13 : i32
    %and3A = arith.andi %ne3A, %ne3A_14 : i1
    %sub3A = arith.constant 1 : i32
    %sub3A_15 = arith.subi %div3A, %sub3A : i32
    %select_n3A = arith.select %and3A, %sub3A_15, %div3A : i32
    %jit3A_16 = arith.constant 2 : i32
    %eq3A = arith.constant 0 : i32
    %eq3A_17 = arith.cmpi eq, %jit3A_16, %eq3A : i32
    %jit3A_18 = arith.constant 1 : i32
    %select_n3A_19 = arith.select %eq3A_17, %jit3A_18, %jit3A_16 : i32
    %rem3A_20 = arith.remsi %arg0, %select_n3A_19 : i32
    %ne3A_21 = arith.constant 0 : i32
    %ne3A_22 = arith.cmpi ne, %rem3A_20, %ne3A_21 : i32
    %lt3A = arith.constant 0 : i32
    %lt3A_23 = arith.cmpi slt, %rem3A_20, %lt3A : i32
    %lt3A_24 = arith.constant 0 : i32
    %lt3A_25 = arith.cmpi slt, %select_n3A_19, %lt3A_24 : i32
    %ne3A_26 = arith.xori %lt3A_23, %lt3A_25 : i1
    %and3A_27 = arith.andi %ne3A_26, %ne3A_22 : i1
    %add3A = arith.addi %rem3A_20, %select_n3A_19 : i32
    %select_n3A_28 = arith.select %and3A_27, %add3A, %rem3A_20 : i32
    %c0_i32 = arith.constant 0 : i32
    %c0_i32_29 = arith.constant 0 : i32
    return %select_n3A, %c0_i32, %select_n3A_28 : i32, i32, i32
  }
  func.func @transform_2(%arg0: i32) -> (i32, i32) {
    %c0_i32 = arith.constant 0 : i32
    %c0_i32_0 = arith.constant 0 : i32
    %c0_i32_1 = arith.constant 0 : i32
    return %c0_i32, %c0_i32_0 : i32, i32
  }
  func.func @transform_3(%arg0: i32) -> (i32, i32, i32) {
    %c0_i32 = arith.constant 0 : i32
    %c0_i32_0 = arith.constant 0 : i32
    %c0_i32_1 = arith.constant 0 : i32
    return %arg0, %c0_i32, %c0_i32_0 : i32, i32, i32
  }
  func.func @transform_4(%arg0: i32) -> (i32, i32) {
    %c0_i32 = arith.constant 0 : i32
    %c0_i32_0 = arith.constant 0 : i32
    %c0_i32_1 = arith.constant 0 : i32
    return %c0_i32, %c0_i32_0 : i32, i32
  }
  func.func @transform_5(%arg0: i32) -> (i32, i32) {
    %c0_i32 = arith.constant 0 : i32
    %c0_i32_0 = arith.constant 0 : i32
    %c0_i32_1 = arith.constant 0 : i32
    return %c0_i32, %c0_i32_0 : i32, i32
  }
}

</mosaic_0001>

<sc_bundles>
// kernel: kernel.4.cloned.1.call-start
scs
__scs_entry_jumppad:
0x0: {  	(pc) =	sbr.rel $0x88, $3  }
0x1: {  	(tag) =	ssettag $0x0;
	lr =	simm.s32 $0x1  }
0x2: {  	[smem:$0x3F9E] =	sst lr;
	_ =	strace $0xD0000000  }
0x3: {  	_ = 	snop  }
0x4: {  	_ = 	snop  }
0x5: {  	_ = 	snop  }
0x6: {  	_ = 	snop  }
0x7: {  	_ = 	snop  }
__scs_overlays_trampoline_lowered:
0x8: {  	[smem:$0x3FAD] =	sst s0  }
0x9: {  	[smem:$0x3FAE] =	sst s1  }
0xa: {  	[smem:$0x3FAF] =	sst s2  }
0xb: {  	[smem:$0x3FB0] =	sst s3  }
0xc: {  	[smem:$0x3FB1] =	sst s4  }
0xd: {  	[smem:$0x3FB2] =	sst s5  }
0xe: {  	[smem:$0x3FB3] =	sst s6  }
0xf: {  	[smem:$0x3FB4] =	sst s7  }
0x10: {  	[smem:$0x3FB5] =	sst s8  }
0x11: {  	[smem:$0x3FB6] =	sst s9;
	s0 =	simm.s32 @!p0 $0x0  }
0x12: {  	s1 =	sld [smem:$0x3F9C];
	s0 =	simm.s32 @p0 $0x1  }
0x13: {  	[smem:$0x3FB7] =	sst s0;
	s0 =	simm.s32 @!p1 $0x0  }
0x14: {  	s2 =	sld [smem:$0x3F9B];
	s0 =	simm.s32 @p1 $0x1  }
0x15: {  	[smem:$0x3FB8] =	sst s0;
	s0 =	simm.s32 @!p2 $0x0  }
0x16: {  	s3 =	sld [smem:$0x3FDB];
	s0 =	simm.s32 @p2 $0x1  }
0x17: {  	s4 =	simm.s32 $0x1BF5;
	[smem:$0x3FBA] =	sst s0  }
0x18: {  	s0 =	sld [smem:$0x3F9D];
	_ =	swait.ge [sflag:s4], $0x0  }
0x19: {  	s7 =	sld [smem:$0x3F9E]  }
0x1a: {  	s8 =	sadd.s32 $0xFFFFE003, lr  }
0x1b: {  	s9 =	sadd.s32 $0xFFFFFEF7, lr;
	s5 =	simm.s32 $0xFFFFFFFF;
	p2 =	slt.u32 s8, $0xFFFFF086  }
0x1c: {  	p1 =	slt.u32 s9, $0xF7A;
	s5 =	simm.s32 @!p2 $0x0  }
0x1d: {  	s5 =	simm.s32 @p1 $0x1;
	p0 =	seq.s32 s7, s2  }
0x1e: {  	s7 =	smul.u32 @!p0 $0xF7A, s2;
	p2 =	seq.s32 @!p0 s5, $0x0  }
0x1f: {  	s9 =	smul.u32 $0xF7A, s1;
	s8 =	simm.s32 @!p0 $0x1BF5;
	p2 =	por !p2, p0  }
0x20: {  	[sflag:s8] =	ssyncset.s32 @!p0 $0xFFFFF086;
	s6 =	sadd.s32 @!p0 s3, s7;
	s7 =	simm.s32 @!p0 $0x108  }
0x21: {  	s3 =	sadd.s32 s3, s9;
	s6 =	sadd.s32 @!p0 $0x88, s6;
	s7 =	simm.s32 @p2 $0x1082  }
0x22: {  	[simem:s7], [sflag:s8] =	dma.local @!p0 [hbm:s6], $0xF7A  }
0x23: {  	s9 =	sor.u32 $0xD0000000, s2;
	s6 =	simm.s32 $0x108;
	_ =	swait.ge @!p0 [sflag:s8], $0x0  }
0x24: {  	s3 =	sadd.s32 $0x88, s3;
	s6 =	simm.s32 @!p1 $0x1082;
	[sflag:s4] =	ssyncset.s32 $0xFFFFF086  }
0x25: {  	[simem:s6], [sflag:s4] =	dma.local [hbm:s3], $0xF7A  }
0x26: {  	[smem:$0x3F9E] =	sst s1;
	(tag) =	ssettag s2;
	_ =	strace s9  }
0x27: {  	s1 =	sld [smem:$0x3FAE]  }
0x28: {  	s2 =	sld [smem:$0x3FAF]  }
0x29: {  	s4 =	sld [smem:$0x3FB1]  }
0x2a: {  	p0 =	seq.s32 s5, $0x0;
	s5 =	sld [smem:$0x3FB2]  }
0x2b: {  	s6 =	sld [smem:$0x3FB3]  }
0x2c: {  	s7 =	sld [smem:$0x3FB4]  }
0x2d: {  	s3 =	simm.s32 $0x108;
	s8 =	sld [smem:$0x3FB5]  }
0x2e: {  	s3 =	simm.s32 @!p0 $0x1082;
	s9 =	sld [smem:$0x3FB6]  }
0x2f: {  	lr =	sadd.s32 s0, s3;
	s0 =	sld [smem:$0x3FAD]  }
0x30: {  	s3 =	sld [smem:$0x3FB0]  }
0x31: {  	[smem:$0x3FB9] =	sst s10  }
0x32: {  	s10 =	sld [smem:$0x3FB7];
	_ =	sdelay $0x3  }
0x33: {  	p0 =	seq.s32 s10, $0x1;
	s10 =	sld [smem:$0x3FB9];
	_ =	sdelay $0x3  }
0x34: {  	[smem:$0x3FB9] =	sst s10  }
0x35: {  	s10 =	sld [smem:$0x3FB8];
	_ =	sdelay $0x3  }
0x36: {  	p1 =	seq.s32 s10, $0x1;
	s10 =	sld [smem:$0x3FB9];
	_ =	sdelay $0x3  }
0x37: {  	[smem:$0x3FB9] =	sst s10  }
0x38: {  	s10 =	sld [smem:$0x3FBA]  }
0x39: {  	_ = 	snop;
	(pc) =	sbr.ind lr, $3  }
0x3a: {  	_ = 	snop  }
0x3b: {  	_ = 	snop  }
0x3c: {  	p2 =	seq.s32 s10, $0x1;
	s10 =	sld [smem:$0x3FB9]  }
0x3d: {  	_ =	shalt  }
0x3e: {  	_ =	shalt  }
0x3f: {  	_ =	shalt  }
0x40: {  	_ =	shalt  }
0x41: {  	_ =	shalt  }
0x42: {  	_ =	shalt  }
0x43: {  	_ =	shalt  }
0x44: {  	_ =	shalt  }
0x45: {  	_ =	shalt  }
0x46: {  	_ =	shalt  }
0x47: {  	_ =	shalt  }
0x48: {  	_ =	shalt  }
0x49: {  	_ =	shalt  }
0x4a: {  	_ =	shalt  }
0x4b: {  	_ =	shalt  }
0x4c: {  	_ =	shalt  }
0x4d: {  	_ =	shalt  }
0x4e: {  	_ =	shalt  }
0x4f: {  	_ =	shalt  }
0x50: {  	_ =	shalt  }
0x51: {  	_ =	shalt  }
0x52: {  	_ =	shalt  }
0x53: {  	_ =	shalt  }
0x54: {  	_ =	shalt  }
0x55: {  	_ =	shalt  }
0x56: {  	_ =	shalt  }
0x57: {  	_ =	shalt  }
0x58: {  	_ =	shalt  }
0x59: {  	_ =	shalt  }
0x5a: {  	_ =	shalt  }
0x5b: {  	_ =	shalt  }
0x5c: {  	_ =	shalt  }
0x5d: {  	_ =	shalt  }
0x5e: {  	_ =	shalt  }
0x5f: {  	_ =	shalt  }
0x60: {  	_ =	shalt  }
0x61: {  	_ =	shalt  }
0x62: {  	_ =	shalt  }
0x63: {  	_ =	shalt  }
0x64: {  	_ =	shalt  }
0x65: {  	_ =	shalt  }
0x66: {  	_ =	shalt  }
0x67: {  	_ =	shalt  }
0x68: {  	_ =	shalt  }
0x69: {  	_ =	shalt  }
0x6a: {  	_ =	shalt  }
0x6b: {  	_ =	shalt  }
0x6c: {  	_ =	shalt  }
0x6d: {  	_ =	shalt  }
0x6e: {  	_ =	shalt  }
0x6f: {  	_ =	shalt  }
0x70: {  	_ =	shalt  }
0x71: {  	_ =	shalt  }
0x72: {  	_ =	shalt  }
0x73: {  	_ =	shalt  }
0x74: {  	_ =	shalt  }
0x75: {  	_ =	shalt  }
0x76: {  	_ =	shalt  }
0x77: {  	_ =	shalt  }
0x78: {  	_ =	shalt  }
0x79: {  	_ =	shalt  }
0x7a: {  	_ =	shalt  }
0x7b: {  	_ =	shalt  }
0x7c: {  	_ =	shalt  }
0x7d: {  	_ =	shalt  }
0x7e: {  	_ =	shalt  }
0x7f: {  	_ =	shalt  }
0x80: {  	_ =	shalt  }
0x81: {  	_ =	shalt  }
0x82: {  	_ =	shalt  }
0x83: {  	_ =	shalt  }
0x84: {  	_ =	shalt  }
0x85: {  	_ =	shalt  }
0x86: {  	_ =	shalt  }
0x87: {  	_ =	shalt  }
.Lfunc_end0:
.L_simem_size_0:
called_computation_lowered:
.L_overlay_start_0:
0x88: {  	s2 =	sld [smem:$0x3FD9]  }
0x89: {  	s3 =	sld [smem:$0x3FFE];
	_ =	sdelay $0x1  }
0x8a: {  	s1 =	srdreg.scid  }
0x8b: {  	s0 =	sand.u32 $0x1, s1  }
0x8c: {  	s14 =	sshll.u32 s0, $0xA;
	s2 =	sadd.s32 s3, s2  }
0x8d: {  	s2 =	sadd.s32 s2, s14  }
0x8e: {  	[smem:$0x3FC5] =	sst s2  }
0x8f: {  	_ = 	snop  }
0x90: {  	s2 =	sld [smem:$0x3FD0];
	_ =	sdelay $0x2  }
0x91: {  	s15 =	simm.s32 $0xA;
	s4 =	simm.s32 $0x10  }
0x92: {  	[smem:s4], [sflag:s15] =	dma.local [hbm:s2], $0x1  }
0x93: {  	_ =	swait.eq [sflag:s15], $0x1  }
0x94: {  	[sflag:s15] =	ssyncset.done $0x0  }
0x95: {  	[sflag:s15] =	ssyncadd.s32 $0xFFFFFFFF  }
0x96: {  	s16 =	sld [smem:$0x11];
	(tm) =	ssettm $0x1  }
0x97: {  	s17 =	sld [smem:$0x3FFB];
	_ =	sdelay $0x3  }
0x98: {  	_ =	strace s17  }
0x99: {  	s3 =	sld [smem:$0x3FFC];
	_ =	sdelay $0x3  }
0x9a: {  	_ =	strace s3  }
0x9b: {  	s3 =	sld [smem:$0x3FFD];
	_ =	sdelay $0x3  }
0x9c: {  	_ =	strace s3  }
0x9d: {  	_ =	strace $0x8FFFFFFF  }
0x9e: {  	s18 =	sld [smem:$0x3FDB];
	_ =	sdelay $0x1  }
0x9f: {  	s19 =	simm.s32 $_scs_section_size  }
0xa0: {  	s5 =	simm.s32 $_size__tile_overlayer_lowered;
	s6 =	simm.s32 $_tile_overlayer_lowered  }
0xa1: {  	s22 =	simm.s32 $0x1BFF;
	s21 =	sshll.u32 s6, $0x1;
	s3 =	sadd.s32 s19, s18  }
0xa2: {  	s7 =	simm.s32 $0x0;
	s20 =	sshll.u32 s5, $0x1;
	s5 =	sadd.s32 s21, s3  }
0xa3: {  	[timem:s7], [sflag:s22] =	dma.local [hbm:s5], s20  }
0xa4: {  	_ =	swait.ge [sflag:s22], s20  }
0xa5: {  	s4 =	ssub.s32 $0x0, s20;
	[sflag:s22] =	ssyncset.done $0x0  }
0xa6: {  	[sflag:s22] =	ssyncadd.s32 s4;
	_ =	sdelay $0x1  }
0xa7: {  	s23 =	simm.s32 $0x1B8B  }
0xa8: {  	_ =	swait.ge [sflag:s23], $0x1  }
0xa9: {  	[sflag:s23] =	ssyncset.done $0x0  }
0xaa: {  	s25 =	simm.s32 $0x1B8E;
	s24 =	sld [smem:$0x3FFE];
	[sflag:s23] =	ssyncadd.s32 $0xFFFFFFFF  }
0xab: {  	s26 =	simm.s32 $execute0_lowered;
	[smem:$0x3FD2] =	sst s25  }
0xac: {  	s5 =	sshll.u32 s26, $0x1;
	_ =	strace $0x80000046;
	[dreg:$0x1] =	wrdreg $0xFFFFFFFF  }
0xad: {  	s28 =	simm.s32 $_size_execute0_lowered;
	s3 =	sadd.s32 s3, s5;
	[dreg:$0x0] =	wrdreg $0x0  }
0xae: {  	s5 =	sshll.u32 s28, $0x1;
	[dreg:$0x2] =	wrdreg s3  }
0xaf: {  	[dreg:$0x3] =	wrdreg s5  }
0xb0: {  	[dreg:$0x4] =	wrdreg $0xC0  }
0xb1: {  	_ =	task [dreg:s7], $0x5FFFF  }
0xb2: {  	[dreg:$0x1] =	wrdreg $0xFFFFFFFF  }
0xb3: {  	[dreg:$0x0] =	wrdreg $0x60  }
0xb4: {  	[dreg:$0x2] =	wrdreg s16  }
0xb5: {  	[dreg:$0x3] =	wrdreg s24  }
0xb6: {  	[dreg:$0x4] =	wrdreg $0x9  }
0xb7: {  	_ =	task.clear_ibuf [dreg:s7], $0x5FFFF;
	_ =	strace $0x90000046  }
0xb8: {  	s29 =	simm.s32 $0x9;
	_ =	strace $0x80000048  }
0xb9: {  	_ =	swait.ge [sflag:s29], $0x1  }
0xba: {  	[sflag:s29] =	ssyncadd.s32 $0xFFFFFFFF  }
0xbb: {  	_ =	strace $0x90000048  }
0xbc: {  	_ =	sfence  }
0xbd: {  	s30 =	sld [smem:$0x0];
	_ =	sdelay $0x2  }
0xbe: {  	s31 =	sshll.u32 s1, $0xD;
	s1 =	sshrl.u32 s1, $0x2  }
0xbf: {  	s3 =	sand.u32 $0x4000, s31;
	s1 =	sadd.s32 s1, s30  }
0xc0: {  	s0 =	sor.u32 s3, s0;
	s1 =	sshll.u32 s1, $0x11  }
0xc1: {  	s0 =	sor.u32 s1, s0  }
0xc2: {  	s0 =	sadd.s32 $0x8F2B, s0  }
0xc3: {  	[sflag:s0] =	ssyncadd.remote.s32 $0x1  }
0xc4: {  	_ =	sfence.sel $0xFFFF  }
0xc5: {  	[dreg:$0x0] =	wrdreg $0xFFFFFFFF;
	(pc) =	sbr.abs _section_cstart, $3  }
0xc6: {  	[dreg:$0x1] =	wrdreg $0xFFFFFFFF  }
0xc7: {  	_ =	task.clear_ibuf [dreg:s7], $0x2FFFF;
	_ =	strace $0x9FFFFFFF  }
0xc8: {  	(tm) =	ssettm $0x7FFFFFFF  }
0xc9: {  	_ =	shalt  }
tec
execute0_lowered:
.L_overlay_start_1:
0x0: {  	(tag) =	ssettag $0x1  }
0x1: {  	s1 =	srdreg.scid  }
0x2: {  	s0 =	stileid.u32;
	s6 =	sand.u32 $0x1, s1  }
0x3: {  	s2 =	rddreg [dreg:$0x0];
	s30 =	sshll.u32 s0, $0x8;
	s3 =	sshll.u32 s6, $0x7  }
0x4: {  	s8 =	rddreg [dreg:$0x1];
	s7 =	simm.s32 $0x1;
	s9 =	sor.u32 s3, s30  }
0x5: {  	s1 =	rddreg [dreg:$0x2];
	s3 =	simm.s32 $0x0;
	s4 =	sshrl.u32 s9, $0x3  }
0x6: {  	s10 =	ssub.s32 $0x2, s6;
	[smem:$0x7FF] =	sst s3;
	s4 =	sadd.s32 s4, s8  }
0x7: {  	_ =	strace $0x80000047;
	s5 =	sadd.s32 $0x400, s4;
	s4 =	simm.s32 $0x2  }
0x8: {  	[tilespmem:s3], [sflag:$0x2] =	stream.linear.gather [hbm4b:s5+s3], $0x80, $0x38;
	[tilespmem:$0x1080] =	vst v63  }
0x9: {  	s6 =	simm.s32 $0x80;
	s11 =	sshrl.u32 s10, $0x1;
	_ =	swait.ge [sflag:s4], $0x80  }
0xa: {  	s9 =	sshll.u32 s9, $0x2;
	s31 =	ssub.s32 s10, s11;
	[sflag:s4] =	ssyncset.done $0x0  }
0xb: {  	s8 =	sadd.s32 s9, s8;
	s9 =	smax.u32 s31, $0x1;
	[sflag:s4] =	ssyncadd.s32 $0xFFFFFF80  }
0xc: {  	[tilespmem:s6], [sflag:$0x1] =	stream.indirect.gather [hbm4b:s2+s6], $0x20, s3, s6, $0xb8;
	[tilespmem:$0x1080] =	vst v63  }
0xd: {  	p0 =	sne.s32 s9, $0x1;
	_ =	swait.ge [sflag:s7], $0x1000  }
.Ltmp0:
0xe: {  	[sflag:s7] =	ssyncset.done $0x0;
	(pc) =	sbr.rel @!p0 .LBB2_2-.Ltmp0, $4  }
0xf: {  	s8 =	sadd.s32 $0x600, s8;
	[sflag:s7] =	ssyncadd.s32 $0xFFFFF000  }
0x10: {  	[hbm4b:s8+s3] =	stream.linear.scatter [tilespmem:s6], [sflag:$0x2], $0x1000, $0x38;
	[tilespmem:$0x1080] =	vst v63  }
0x11: {  	_ =	swait.ge [sflag:s4], $0x1000  }
0x12: {  	s9 =	sadd.s32 $0xFFFFFFFF, s9;
	[sflag:s4] =	ssyncset.done $0x0  }
.LBB2_1:
0x13: {  	p0 =	sne.s32 s9, $0x1;
	s9 =	sadd.s32 $0xFFFFFFFF, s9;
	[sflag:s4] =	ssyncadd.s32 $0xFFFFF000  }
0x14: {  	[tilespmem:s3], [sflag:$0x2] =	stream.linear.gather [hbm4b:s5+s3], $0x80, $0x38;
	[tilespmem:$0x1080] =	vst v63  }
0x15: {  	_ =	swait.ge [sflag:s4], $0x80  }
0x16: {  	[sflag:s4] =	ssyncset.done $0x0  }
0x17: {  	[sflag:s4] =	ssyncadd.s32 $0xFFFFFF80  }
0x18: {  	[tilespmem:s6], [sflag:$0x1] =	stream.indirect.gather [hbm4b:s2+s6], $0x20, s3, s6, $0xb8;
	[tilespmem:$0x1080] =	vst v63  }
0x19: {  	_ =	swait.ge [sflag:s7], $0x1000  }
.Ltmp1:
0x1a: {  	[sflag:s7] =	ssyncset.done $0x0;
	(pc) =	sbr.rel @p0 .LBB2_1-.Ltmp1, $4  }
0x1b: {  	[sflag:s7] =	ssyncadd.s32 $0xFFFFF000  }
0x1c: {  	[hbm4b:s8+s3] =	stream.linear.scatter [tilespmem:s6], [sflag:$0x2], $0x1000, $0x38;
	[tilespmem:$0x1080] =	vst v63  }
0x1d: {  	_ =	swait.ge [sflag:s4], $0x1000  }
0x1e: {  	[sflag:s4] =	ssyncset.done $0x0  }
.LBB2_2:
0x1f: {  	[sflag:s4] =	ssyncadd.s32 $0xFFFFF000  }
0x20: {  	_ =	sfence.sel $0x180000  }
0x21: {  	[bflag:$0x0] =	sbarrier.arrive $0xFFFF  }
0x22: {  	p0 =	sne.s32 s0, $0x0;
	_ =	strace $0x90000047  }
0x23: {  	s0 =	sadd.s32 @!p0 $0x100000, s1;
	[bflag:$0x2] =	sbarrier.arrive $0xFFFF  }
0x24: {  	[sflag:s0] =	ssyncadd.tile.s32 @!p0 $0x1;
	_ =	shalt  }
.Lfunc_end2:
_tile_overlayer_lowered:
.L_overlay_start_2:
0x25: {  	(tag) =	ssettag $0x2  }
0x26: {  	s0 =	rddreg [dreg:$0x0];
	s2 =	stileid.u32  }
0x27: {  	s1 =	rddreg [dreg:$0x1];
	p0 =	sne.s32 s2, $0x0  }
0x28: {  	s3 =	rddreg [dreg:$0x2];
	[bflag:$0x3] =	sbarrier.arrive $0xFFFF;
	s2 =	simm.s32 @!p0 $0x1C02  }
0x29: {  	[timem:s3], [sflag:s2] =	dma.local @!p0 [hbm:s0], s1  }
0x2a: {  	s0 =	simm.s32 @!p0 $0x2  }
0x2b: {  	_ =	swait.ge @!p0 [sflag:s0], s1  }
0x2c: {  	s1 =	ssub.s32 @!p0 $0x0, s1;
	[sflag:s0] =	ssyncset.done @!p0 $0x0  }
0x2d: {  	[sflag:s0] =	ssyncadd.s32 @!p0 s1  }
0x2e: {  	[bflag:$0x3] =	sbarrier.arrive $0xFFFF  }
0x2f: {  	_ =	shalt  }

</sc_bundles>
